<compile_context>
chip_gen: v7x
topology: tpu7x:2x2x1
jax: 0.10.2.dev20260603
libtpu: 0.0.44.dev20260713+nightly
codegen_flags: <defaults>
</compile_context>

<pallas_src>
import jax
import jax.numpy as jnp
from jax.experimental import pallas as pl
from jax.experimental.pallas import tpu as pltpu
from jax.experimental.pallas import tpu_sc as plsc

D_IN = 768
D_HID = 3072
N_EXP = 16
N_HC = 2
H_BLK = D_HID // N_HC
N_T = N_EXP * N_HC
S = 3
N_TOK = 32


def _logits_kernel(x_ref, WgT_ref, WnT_ref, eps_ref, out_ref):
    xv = x_ref[...]
    gl = jnp.dot(xv, WgT_ref[...], preferred_element_type=jnp.float32)
    nl = jnp.dot(xv, WnT_ref[...], preferred_element_type=jnp.float32)
    out_ref[...] = gl + jax.nn.softplus(nl) * eps_ref[...]


def _make_sc_gating_kernel(n_cores, n_subcores):
    total = n_cores * n_subcores

    def _sc_gating_kernel(l_hbm, w_hbm, vbuf):
        c = jax.lax.axis_index("c")
        s = jax.lax.axis_index("s")
        row0 = c * n_subcores + s

        def do_row(row):
            pltpu.sync_copy(l_hbm.at[row], vbuf)
            l = vbuf[...]
            idx = jax.lax.iota(jnp.int32, 16)
            k, p = plsc.sort_key_val(l, idx, descending=True)
            zeros = jnp.zeros((16,), jnp.int32)
            ones = zeros + 1
            v1 = k.at[zeros].get(mode="promise_in_bounds")
            v2 = k.at[ones].get(mode="promise_in_bounds")
            i1 = p.at[zeros].get(mode="promise_in_bounds")
            i2 = p.at[ones].get(mode="promise_in_bounds")
            t = jnp.exp(v2 - v1)
            denom = 1.0 + t
            w1 = 1.0 / denom
            w2 = t / denom
            wv = (jnp.where(idx == i1, w1, 0.0)
                  + jnp.where(idx == i2, w2, 0.0))
            vbuf[...] = wv
            pltpu.sync_copy(vbuf, w_hbm.at[row])

        for k in range(0, N_TOK, total):
            @pl.when(row0 + k < N_TOK)
            def _(kk=k):
                do_row(row0 + kk)

    return _sc_gating_kernel


def _moe_kernel(x_ref, w_ref, b1_ref, b2_ref,
                W1_hbm, W2_hbm, out_ref, sems, w1b, w2b):
    xv = x_ref[...]

    def w1_copy(t, slot):
        e = t // N_HC
        hc = t % N_HC
        return pltpu.make_async_copy(
            W1_hbm.at[e, :, pl.ds(hc * H_BLK, H_BLK)], w1b.at[slot],
            sems.at[0, slot])

    def w2_copy(t, slot):
        e = t // N_HC
        hc = t % N_HC
        return pltpu.make_async_copy(
            W2_hbm.at[e, pl.ds(hc * H_BLK, H_BLK), :], w2b.at[slot],
            sems.at[1, slot])

    for t0 in range(S):
        w1_copy(t0, t0).start()
        w2_copy(t0, t0).start()

    out_ref[...] = jnp.dot(w_ref[...], b2_ref[...],
                           preferred_element_type=jnp.float32)

    def tick(t, _):
        slot = jax.lax.rem(t, S)
        e = t // N_HC
        hc = jax.lax.rem(t, N_HC)
        w1_copy(t, slot).wait()
        w2_copy(t, slot).wait()
        ei = jax.lax.broadcasted_iota(jnp.int32, (N_TOK, N_EXP), 1)
        w_col = jnp.sum(jnp.where(ei == e, w_ref[...], 0.0), axis=1,
                        keepdims=True)
        h = jnp.dot(xv, w1b[slot], preferred_element_type=jnp.float32)
        h = jnp.maximum(h + b1_ref[pl.ds(e, 1), pl.ds(hc * H_BLK, H_BLK)], 0.0)
        y = jnp.dot(w_col * h, w2b[slot], preferred_element_type=jnp.float32)
        out_ref[...] += y

        @pl.when(t + S < N_T)
        def _refill():
            w1_copy(t + S, slot).start()
            w2_copy(t + S, slot).start()

        return _

    jax.lax.fori_loop(0, N_T, tick, None)


def kernel(x, Wg, Wnoise, W1, b1, W2, b2):
    b, c, d = x.shape
    xm = x.reshape(b * c, d)
    eps = jax.random.normal(jax.random.key(42), (b * c, N_EXP), dtype=x.dtype)

    logits = pl.pallas_call(
        _logits_kernel,
        out_shape=jax.ShapeDtypeStruct((b * c, N_EXP), jnp.float32),
    )(xm, Wg.T, Wnoise.T, eps)

    mesh = plsc.VectorSubcoreMesh(core_axis_name="c", subcore_axis_name="s")
    sc_gate = pl.kernel(
        _make_sc_gating_kernel(mesh.num_cores, mesh.num_subcores),
        out_type=jax.ShapeDtypeStruct((b * c, N_EXP), jnp.float32),
        mesh=mesh,
        scratch_types=[pltpu.VMEM((N_EXP,), jnp.float32)],
        compiler_params=pltpu.CompilerParams(needs_layout_passes=False),
    )
    w = sc_gate(logits)

    out = pl.pallas_call(
        _moe_kernel,
        in_specs=[
            pl.BlockSpec(memory_space=pltpu.VMEM),
            pl.BlockSpec(memory_space=pltpu.VMEM),
            pl.BlockSpec(memory_space=pltpu.VMEM),
            pl.BlockSpec(memory_space=pltpu.VMEM),
            pl.BlockSpec(memory_space=pltpu.HBM),
            pl.BlockSpec(memory_space=pltpu.HBM),
        ],
        out_specs=pl.BlockSpec(memory_space=pltpu.VMEM),
        out_shape=jax.ShapeDtypeStruct((b * c, D_IN), jnp.float32),
        scratch_shapes=[
            pltpu.SemaphoreType.DMA((2, S)),
            pltpu.VMEM((S, D_IN, H_BLK), jnp.float32),
            pltpu.VMEM((S, H_BLK, D_IN), jnp.float32),
        ],
    )(xm, w, b1, b2, W1, W2)
    return out.reshape(b, c, d)

# --- scband reference (transcript-rebuilt; emitter-appended) ---
"""Pipeline reference for scband-mo-e-26087631356434 (READ-ONLY COPY).

The authoritative reference and input builder live on the scoring server;
editing this copy changes nothing except your own understanding.
"""

import jax, jax.numpy as jnp
import numpy as np

D_IN = 768
D_HID = 3072
N_EXP = 16
TOP_K = 2
UTIL_FACTOR = 0.01


def setup_inputs(seed: int = 0) -> dict:
    key = jax.random.key(seed)
    ks = jax.random.split(key, 8)
    std = 1.0 / np.sqrt(D_IN)
    x = jax.random.normal(ks[0], (32, 1, D_IN), dtype=jnp.float32)
    Wg = jax.random.uniform(ks[1], (N_EXP, D_IN), minval=-std, maxval=std, dtype=jnp.float32)
    Wnoise = jax.random.uniform(ks[2], (N_EXP, D_IN), minval=-std, maxval=std, dtype=jnp.float32)
    W1 = jax.random.uniform(ks[3], (N_EXP, D_IN, D_HID), minval=-std, maxval=std, dtype=jnp.float32)
    b1 = jax.random.uniform(ks[4], (N_EXP, D_HID), minval=-std, maxval=std, dtype=jnp.float32)
    W2 = jax.random.uniform(ks[5], (N_EXP, D_HID, D_IN), minval=-std, maxval=std, dtype=jnp.float32)
    b2 = jax.random.uniform(ks[6], (N_EXP, D_IN), minval=-std, maxval=std, dtype=jnp.float32)
    return {"x": x, "Wg": Wg, "Wnoise": Wnoise, "W1": W1, "b1": b1, "W2": W2, "b2": b2}


def reference(x, Wg, Wnoise, W1, b1, W2, b2):
    b, c, d = x.shape
    E = Wg.shape[0]
    # Gating network
    noise_eps = jax.random.normal(jax.random.key(42), (b, c, E), dtype=x.dtype)
    noise = jax.nn.softplus(x @ Wnoise.T) * noise_eps
    logits = x @ Wg.T + noise
    flat = logits.reshape(-1, E)
    sel_vals, sel_idx = jax.lax.top_k(flat, TOP_K)
    mask = jnp.full_like(flat, -jnp.inf)
    mask = mask.at[jnp.arange(flat.shape[0])[:, None], sel_idx].set(sel_vals)
    weights = jax.nn.softmax(mask, axis=-1).reshape(b, c, E)
    # utilization loss (side output in torch; computed for faithfulness)
    importance = weights.reshape(-1, E).sum(axis=0)
    square_cv = jnp.var(importance) / jnp.mean(importance) ** 2
    util_loss = UTIL_FACTOR * square_cv
    # Dense experts: all experts evaluated for every token
    a = jnp.einsum('bcd,ndh->bcnh', x, W1) + b1
    z = jax.nn.relu(a)
    y = jnp.einsum('bcnh,nhd->bcnd', z, W2) + b2
    out = jnp.einsum('bcn,bcnd->bcd', weights, y)
    return out

if __name__ == "__main__":
    import jax
    _d = setup_inputs()
    print(jax.jit(kernel)(*tuple(_d.values())))

</pallas_src>

<mosaic_0001>
#map = affine_map<(d0, d1) -> (0, 0)>
module attributes {stable_mosaic.version = 14 : i64} {
  func.func @_sc_gating_kernel(%arg0: i32, %arg1: i32, %arg2: memref<32x16xf32, #tpu.memory_space<hbm>>, %arg3: memref<32x16xf32, #tpu.memory_space<hbm>>, %arg4: memref<16xf32, #tpu.memory_space<vmem>>) attributes {dimension_semantics = [#tpu.dimension_semantics<core_parallel>, #tpu.dimension_semantics<subcore_parallel>], iteration_bounds = array<i64: 2, 16>, scalar_prefetch = 0 : i64, scratch_operands = 1 : i64, tpu.core_type = #tpu.core_type<sc_vector_subcore>, window_params = [{transform_indices = #map}, {transform_indices = #map}]} {
    %mul3A = arith.constant 16 : i32
    %mul3A_0 = arith.muli %arg0, %mul3A : i32
    %add3A = arith.addi %mul3A_0, %arg1 : i32
    %add3A_1 = arith.constant 0 : i32
    %add3A_2 = arith.addi %add3A, %add3A_1 : i32
    %lt3A = arith.constant 32 : i32
    %lt3A_3 = arith.cmpi slt, %add3A_2, %lt3A : i32
    %convert_element_type3A = arith.extui %lt3A_3 : i1 to i32
    %cond3A = arith.constant 0 : i32
    %cond3A_4 = arith.cmpi ne, %convert_element_type3A, %cond3A : i32
    scf.if %cond3A_4 {
      %add3A_5 = arith.constant 0 : i32
      %add3A_6 = arith.addi %add3A, %add3A_5 : i32
      "tpu.region"() ({
        %run_scoped3A = tpu.sem_alloc : memref<!tpu.dma_semaphore, #tpu.memory_space<semaphore_mem>>
        %dma_start3A = arith.constant 0 : i32
        %dma_start3A_67 = tpu.memref_slice %arg2[%add3A_6, %dma_start3A] : memref<32x16xf32, #tpu.memory_space<hbm>> -> memref<1x16xf32, #tpu.memory_space<hbm>>
        %dma_start3A_68 = tpu.memref_squeeze %dma_start3A_67 : memref<1x16xf32, #tpu.memory_space<hbm>> -> memref<16xf32, #tpu.memory_space<hbm>>
        %dma_start3A_69 = arith.constant 0 : i32
        %dma_start3A_70 = tpu.memref_slice %arg2[%add3A_6, %dma_start3A_69] : memref<32x16xf32, #tpu.memory_space<hbm>> -> memref<1x16xf32, #tpu.memory_space<hbm>>
        %dma_start3A_71 = tpu.memref_squeeze %dma_start3A_70 : memref<1x16xf32, #tpu.memory_space<hbm>> -> memref<16xf32, #tpu.memory_space<hbm>>
        tpu.enqueue_dma source(%dma_start3A_71 : memref<16xf32, #tpu.memory_space<hbm>>) target(%arg4 : memref<16xf32, #tpu.memory_space<vmem>>) target_semaphore(%run_scoped3A : memref<!tpu.dma_semaphore, #tpu.memory_space<semaphore_mem>>)
        %dma_wait3A = arith.constant 0 : i32
        %dma_wait3A_72 = tpu.memref_slice %arg2[%add3A_6, %dma_wait3A] : memref<32x16xf32, #tpu.memory_space<hbm>> -> memref<1x16xf32, #tpu.memory_space<hbm>>
        %dma_wait3A_73 = tpu.memref_squeeze %dma_wait3A_72 : memref<1x16xf32, #tpu.memory_space<hbm>> -> memref<16xf32, #tpu.memory_space<hbm>>
        %dma_wait3A_74 = arith.constant 0 : i32
        %dma_wait3A_75 = tpu.memref_slice %arg2[%add3A_6, %dma_wait3A_74] : memref<32x16xf32, #tpu.memory_space<hbm>> -> memref<1x16xf32, #tpu.memory_space<hbm>>
        %dma_wait3A_76 = tpu.memref_squeeze %dma_wait3A_75 : memref<1x16xf32, #tpu.memory_space<hbm>> -> memref<16xf32, #tpu.memory_space<hbm>>
        tpu.wait_dma2 semaphore(%run_scoped3A : memref<!tpu.dma_semaphore, #tpu.memory_space<semaphore_mem>>) src(%dma_wait3A_76 : memref<16xf32, #tpu.memory_space<hbm>>) dst(%arg4 : memref<16xf32, #tpu.memory_space<vmem>>)
        tpu.yield
      }) : () -> ()
      %get3A = arith.constant 0 : index
      %get3A_7 = tpu.vector_load %arg4[%get3A] {strides = array<i32>} : memref<16xf32, #tpu.memory_space<vmem>>, vector<16xf32>,
      %iota3A = tpu.iota {dimensions = array<i32: 0>} : vector<16xi32>
      %masked_sort3A = arith.constant dense<true> : vector<16xi1>
      %masked_sort3A_8, %masked_sort3A_9, %masked_sort3A_10 = tpu.sort %get3A_7, %iota3A masked %masked_sort3A {descending = true} : (vector<16xf32>, vector<16xi32>, vector<16xi1>) -> (vector<16xi1>, vector<16xf32>, vector<16xi32>)
      %broadcast_in_dim3A = arith.constant 0 : i32
      %broadcast_in_dim3A_11 = vector.broadcast %broadcast_in_dim3A : i32 to vector<16xi32>
      %add3A_12 = arith.constant 1 : i32
      %add3A_13 = vector.broadcast %add3A_12 : i32 to vector<16xi32>
      %add3A_14 = arith.addi %broadcast_in_dim3A_11, %add3A_13 : vector<16xi32>
      %lt3A_15 = arith.constant 0 : i32
      %lt3A_16 = vector.broadcast %lt3A_15 : i32 to vector<16xi32>
      %lt3A_17 = arith.cmpi slt, %broadcast_in_dim3A_11, %lt3A_16 : vector<16xi32>
      %add3A_18 = arith.constant 16 : i32
      %add3A_19 = vector.broadcast %add3A_18 : i32 to vector<16xi32>
      %add3A_20 = arith.addi %broadcast_in_dim3A_11, %add3A_19 : vector<16xi32>
      %select_n3A = arith.select %lt3A_17, %add3A_20, %broadcast_in_dim3A_11 : vector<16xi1>, vector<16xi32>
      %broadcast_in_dim3A_21 = vector.shape_cast %select_n3A : vector<16xi32> to vector<16x1xi32>
      %gather3A = vector.shape_cast %broadcast_in_dim3A_21 : vector<16x1xi32> to vector<16xi32>
      %gather3A_22 = tpu.dynamic_gather %masked_sort3A_9[%gather3A] in [0] : vector<16xf32>, vector<16xi32> -> vector<16xf32>
      %lt3A_23 = arith.constant 0 : i32
      %lt3A_24 = vector.broadcast %lt3A_23 : i32 to vector<16xi32>
      %lt3A_25 = arith.cmpi slt, %add3A_14, %lt3A_24 : vector<16xi32>
      %add3A_26 = arith.constant 16 : i32
      %add3A_27 = vector.broadcast %add3A_26 : i32 to vector<16xi32>
      %add3A_28 = arith.addi %add3A_14, %add3A_27 : vector<16xi32>
      %select_n3A_29 = arith.select %lt3A_25, %add3A_28, %add3A_14 : vector<16xi1>, vector<16xi32>
      %broadcast_in_dim3A_30 = vector.shape_cast %select_n3A_29 : vector<16xi32> to vector<16x1xi32>
      %gather3A_31 = vector.shape_cast %broadcast_in_dim3A_30 : vector<16x1xi32> to vector<16xi32>
      %gather3A_32 = tpu.dynamic_gather %masked_sort3A_9[%gather3A_31] in [0] : vector<16xf32>, vector<16xi32> -> vector<16xf32>
      %lt3A_33 = arith.constant 0 : i32
      %lt3A_34 = vector.broadcast %lt3A_33 : i32 to vector<16xi32>
      %lt3A_35 = arith.cmpi slt, %broadcast_in_dim3A_11, %lt3A_34 : vector<16xi32>
      %add3A_36 = arith.constant 16 : i32
      %add3A_37 = vector.broadcast %add3A_36 : i32 to vector<16xi32>
      %add3A_38 = arith.addi %broadcast_in_dim3A_11, %add3A_37 : vector<16xi32>
      %select_n3A_39 = arith.select %lt3A_35, %add3A_38, %broadcast_in_dim3A_11 : vector<16xi1>, vector<16xi32>
      %broadcast_in_dim3A_40 = vector.shape_cast %select_n3A_39 : vector<16xi32> to vector<16x1xi32>
      %gather3A_41 = vector.shape_cast %broadcast_in_dim3A_40 : vector<16x1xi32> to vector<16xi32>
      %gather3A_42 = tpu.dynamic_gather %masked_sort3A_10[%gather3A_41] in [0] : vector<16xi32>, vector<16xi32> -> vector<16xi32>
      %lt3A_43 = arith.constant 0 : i32
      %lt3A_44 = vector.broadcast %lt3A_43 : i32 to vector<16xi32>
      %lt3A_45 = arith.cmpi slt, %add3A_14, %lt3A_44 : vector<16xi32>
      %add3A_46 = arith.constant 16 : i32
      %add3A_47 = vector.broadcast %add3A_46 : i32 to vector<16xi32>
      %add3A_48 = arith.addi %add3A_14, %add3A_47 : vector<16xi32>
      %select_n3A_49 = arith.select %lt3A_45, %add3A_48, %add3A_14 : vector<16xi1>, vector<16xi32>
      %broadcast_in_dim3A_50 = vector.shape_cast %select_n3A_49 : vector<16xi32> to vector<16x1xi32>
      %gather3A_51 = vector.shape_cast %broadcast_in_dim3A_50 : vector<16x1xi32> to vector<16xi32>
      %gather3A_52 = tpu.dynamic_gather %masked_sort3A_10[%gather3A_51] in [0] : vector<16xi32>, vector<16xi32> -> vector<16xi32>
      %sub3A = arith.subf %gather3A_32, %gather3A_22 : vector<16xf32>
      %exp3A = math.exp %sub3A : vector<16xf32>
      %add3A_53 = arith.constant 1.000000e+00 : f32
      %add3A_54 = vector.broadcast %add3A_53 : f32 to vector<16xf32>
      %add3A_55 = arith.addf %add3A_54, %exp3A : vector<16xf32>
      %div3A = arith.constant 1.000000e+00 : f32
      %div3A_56 = vector.broadcast %div3A : f32 to vector<16xf32>
      %div3A_57 = arith.divf %div3A_56, %add3A_55 : vector<16xf32>
      %div3A_58 = arith.divf %exp3A, %add3A_55 : vector<16xf32>
      %eq3A = arith.cmpi eq, %iota3A, %gather3A_42 : vector<16xi32>
      %jit3A = arith.constant 0.000000e+00 : f32
      %broadcast_in_dim3A_59 = vector.broadcast %jit3A : f32 to vector<16xf32>
      %select_n3A_60 = arith.select %eq3A, %div3A_57, %broadcast_in_dim3A_59 : vector<16xi1>, vector<16xf32>
      %eq3A_61 = arith.cmpi eq, %iota3A, %gather3A_52 : vector<16xi32>
      %jit3A_62 = arith.constant 0.000000e+00 : f32
      %broadcast_in_dim3A_63 = vector.broadcast %jit3A_62 : f32 to vector<16xf32>
      %select_n3A_64 = arith.select %eq3A_61, %div3A_58, %broadcast_in_dim3A_63 : vector<16xi1>, vector<16xf32>
      %add3A_65 = arith.addf %select_n3A_60, %select_n3A_64 : vector<16xf32>
      %swap3A = arith.constant 0 : index
      %swap3A_66 = tpu.vector_load %arg4[%swap3A] {strides = array<i32>} : memref<16xf32, #tpu.memory_space<vmem>>, vector<16xf32>,
      tpu.vector_store %arg4[%swap3A], %add3A_65 {strides = array<i32>} : memref<16xf32, #tpu.memory_space<vmem>>, vector<16xf32>,
      "tpu.region"() ({
        %run_scoped3A = tpu.sem_alloc : memref<!tpu.dma_semaphore, #tpu.memory_space<semaphore_mem>>
        %dma_start3A = arith.constant 0 : i32
        %dma_start3A_67 = tpu.memref_slice %arg3[%add3A_6, %dma_start3A] : memref<32x16xf32, #tpu.memory_space<hbm>> -> memref<1x16xf32, #tpu.memory_space<hbm>>
        %dma_start3A_68 = tpu.memref_squeeze %dma_start3A_67 : memref<1x16xf32, #tpu.memory_space<hbm>> -> memref<16xf32, #tpu.memory_space<hbm>>
        %dma_start3A_69 = arith.constant 0 : i32
        %dma_start3A_70 = tpu.memref_slice %arg3[%add3A_6, %dma_start3A_69] : memref<32x16xf32, #tpu.memory_space<hbm>> -> memref<1x16xf32, #tpu.memory_space<hbm>>
        %dma_start3A_71 = tpu.memref_squeeze %dma_start3A_70 : memref<1x16xf32, #tpu.memory_space<hbm>> -> memref<16xf32, #tpu.memory_space<hbm>>
        tpu.enqueue_dma source(%arg4 : memref<16xf32, #tpu.memory_space<vmem>>) target(%dma_start3A_71 : memref<16xf32, #tpu.memory_space<hbm>>) target_semaphore(%run_scoped3A : memref<!tpu.dma_semaphore, #tpu.memory_space<semaphore_mem>>)
        %dma_wait3A = arith.constant 0 : i32
        %dma_wait3A_72 = tpu.memref_slice %arg3[%add3A_6, %dma_wait3A] : memref<32x16xf32, #tpu.memory_space<hbm>> -> memref<1x16xf32, #tpu.memory_space<hbm>>
        %dma_wait3A_73 = tpu.memref_squeeze %dma_wait3A_72 : memref<1x16xf32, #tpu.memory_space<hbm>> -> memref<16xf32, #tpu.memory_space<hbm>>
        %dma_wait3A_74 = arith.constant 0 : i32
        %dma_wait3A_75 = tpu.memref_slice %arg3[%add3A_6, %dma_wait3A_74] : memref<32x16xf32, #tpu.memory_space<hbm>> -> memref<1x16xf32, #tpu.memory_space<hbm>>
        %dma_wait3A_76 = tpu.memref_squeeze %dma_wait3A_75 : memref<1x16xf32, #tpu.memory_space<hbm>> -> memref<16xf32, #tpu.memory_space<hbm>>
        tpu.wait_dma2 semaphore(%run_scoped3A : memref<!tpu.dma_semaphore, #tpu.memory_space<semaphore_mem>>) src(%arg4 : memref<16xf32, #tpu.memory_space<vmem>>) dst(%dma_wait3A_76 : memref<16xf32, #tpu.memory_space<hbm>>)
        tpu.yield
      }) : () -> ()
    } else {
    }
    return
  }
}

module attributes {stable_mosaic.version = 14 : i64} {
  func.func @_logits_kernel(%arg0: memref<32x768xf32, #tpu.memory_space<vmem>>, %arg1: memref<768x16xf32, #tpu.memory_space<vmem>>, %arg2: memref<768x16xf32, #tpu.memory_space<vmem>>, %arg3: memref<32x16xf32, #tpu.memory_space<vmem>>, %arg4: memref<32x16xf32, #tpu.memory_space<vmem>>) attributes {dimension_semantics = [], scalar_prefetch = 0 : i64, scratch_operands = 0 : i64, tpu.core_type = #tpu.core_type<tc>} {
    %get3A = arith.constant 0 : index
    %get3A_0 = arith.constant 0 : index
    %get3A_1 = vector.load %arg0[%get3A, %get3A_0] : memref<32x768xf32, #tpu.memory_space<vmem>>, vector<32x768xf32>
    %get3A_2 = arith.constant 0 : index
    %get3A_3 = arith.constant 0 : index
    %get3A_4 = vector.load %arg1[%get3A_2, %get3A_3] : memref<768x16xf32, #tpu.memory_space<vmem>>, vector<768x16xf32>
    %dot_general3A = arith.constant dense<0.000000e+00> : vector<32x16xf32>
    %dot_general3A_5 = tpu.matmul %get3A_1, %get3A_4, %dot_general3A {dimension_numbers = #tpu.dot_dimension_numbers<[1], [0], [0], [1], [0, 0, 1, 1], [], []>, transpose_lhs_hint = false} : vector<32x768xf32>, vector<768x16xf32>, vector<32x16xf32> -> vector<32x16xf32>
    %get3A_6 = arith.constant 0 : index
    %get3A_7 = arith.constant 0 : index
    %get3A_8 = vector.load %arg2[%get3A_6, %get3A_7] : memref<768x16xf32, #tpu.memory_space<vmem>>, vector<768x16xf32>
    %dot_general3A_9 = arith.constant dense<0.000000e+00> : vector<32x16xf32>
    %dot_general3A_10 = tpu.matmul %get3A_1, %get3A_8, %dot_general3A_9 {dimension_numbers = #tpu.dot_dimension_numbers<[1], [0], [0], [1], [0, 0, 1, 1], [], []>, transpose_lhs_hint = false} : vector<32x768xf32>, vector<768x16xf32>, vector<32x16xf32> -> vector<32x16xf32>
    %custom_jvp_call3A = arith.constant 0.000000e+00 : f32
    %max3A = vector.broadcast %custom_jvp_call3A : f32 to vector<32x16xf32>
    %max3A_11 = arith.maximumf %dot_general3A_10, %max3A : vector<32x16xf32>
    %sub3A = vector.broadcast %custom_jvp_call3A : f32 to vector<32x16xf32>
    %sub3A_12 = arith.subf %dot_general3A_10, %sub3A : vector<32x16xf32>
    %ne3A = arith.cmpf one, %sub3A_12, %sub3A_12 : vector<32x16xf32>
    %add3A = vector.broadcast %custom_jvp_call3A : f32 to vector<32x16xf32>
    %add3A_13 = arith.addf %dot_general3A_10, %add3A : vector<32x16xf32>
    %abs3A = math.absf %sub3A_12 : vector<32x16xf32>
    %neg3A = arith.constant 0.000000e+00 : f32
    %neg3A_14 = vector.broadcast %neg3A : f32 to vector<32x16xf32>
    %neg3A_15 = arith.subf %neg3A_14, %abs3A : vector<32x16xf32>
    %exp3A = math.exp %neg3A_15 : vector<32x16xf32>
    %log1p3A = math.log1p %exp3A : vector<32x16xf32>
    %add3A_16 = arith.addf %max3A_11, %log1p3A : vector<32x16xf32>
    %select_n3A = arith.select %ne3A, %add3A_13, %add3A_16 : vector<32x16xi1>, vector<32x16xf32>
    %get3A_17 = arith.constant 0 : index
    %get3A_18 = arith.constant 0 : index
    %get3A_19 = vector.load %arg3[%get3A_17, %get3A_18] : memref<32x16xf32, #tpu.memory_space<vmem>>, vector<32x16xf32>
    %mul3A = arith.mulf %select_n3A, %get3A_19 : vector<32x16xf32>
    %add3A_20 = arith.addf %dot_general3A_5, %mul3A : vector<32x16xf32>
    %swap3A = arith.constant 0 : index
    %swap3A_21 = arith.constant 0 : index
    %swap3A_22 = vector.load %arg4[%swap3A, %swap3A_21] : memref<32x16xf32, #tpu.memory_space<vmem>>, vector<32x16xf32>
    tpu.vector_store %arg4[%swap3A, %swap3A_21], %add3A_20 {strides = array<i32>} : memref<32x16xf32, #tpu.memory_space<vmem>>, vector<32x16xf32>,
    return
  }
}

module attributes {stable_mosaic.version = 14 : i64} {
  func.func @_moe_kernel(%arg0: memref<32x768xf32, #tpu.memory_space<vmem>>, %arg1: memref<32x16xf32, #tpu.memory_space<vmem>>, %arg2: memref<16x3072xf32, #tpu.memory_space<vmem>>, %arg3: memref<16x768xf32, #tpu.memory_space<vmem>>, %arg4: memref<16x768x3072xf32, #tpu.memory_space<hbm>>, %arg5: memref<16x3072x768xf32, #tpu.memory_space<hbm>>, %arg6: memref<32x768xf32, #tpu.memory_space<vmem>>, %arg7: memref<2x3x!tpu.dma_semaphore, #tpu.memory_space<semaphore_mem>>, %arg8: memref<3x768x1536xf32, #tpu.memory_space<vmem>>, %arg9: memref<3x1536x768xf32, #tpu.memory_space<vmem>>) attributes {dimension_semantics = [], scalar_prefetch = 0 : i64, scratch_operands = 3 : i64, tpu.core_type = #tpu.core_type<tc>} {
    %get3A = arith.constant 0 : index
    %get3A_0 = arith.constant 0 : index
    %get3A_1 = vector.load %arg0[%get3A, %get3A_0] : memref<32x768xf32, #tpu.memory_space<vmem>>, vector<32x768xf32>
    %dma_start3A = arith.constant 0 : i32
    %dma_start3A_2 = arith.constant 0 : i32
    %dma_start3A_3 = arith.constant 0 : i32
    %dma_start3A_4 = arith.constant 0 : i32
    %dma_start3A_5 = tpu.memref_slice %arg7[%dma_start3A_3, %dma_start3A_4] : memref<2x3x!tpu.dma_semaphore, #tpu.memory_space<semaphore_mem>> -> memref<1x1x!tpu.dma_semaphore, #tpu.memory_space<semaphore_mem>>
    %dma_start3A_6 = tpu.memref_squeeze %dma_start3A_5 : memref<1x1x!tpu.dma_semaphore, #tpu.memory_space<semaphore_mem>> -> memref<!tpu.dma_semaphore, #tpu.memory_space<semaphore_mem>>
    %dma_start3A_7 = arith.constant 0 : i32
    %dma_start3A_8 = arith.constant 0 : i32
    %dma_start3A_9 = tpu.memref_slice %arg8[%dma_start3A_2, %dma_start3A_7, %dma_start3A_8] : memref<3x768x1536xf32, #tpu.memory_space<vmem>> -> memref<1x768x1536xf32, #tpu.memory_space<vmem>>
    %dma_start3A_10 = tpu.memref_squeeze %dma_start3A_9 : memref<1x768x1536xf32, #tpu.memory_space<vmem>> -> memref<768x1536xf32, #tpu.memory_space<vmem>>
    %dma_start3A_11 = arith.constant 0 : i32
    %dma_start3A_12 = arith.constant 0 : i32
    %dma_start3A_13 = tpu.memref_slice %arg4[%dma_start3A, %dma_start3A_11, %dma_start3A_12] : memref<16x768x3072xf32, #tpu.memory_space<hbm>> -> memref<1x768x1536xf32, #tpu.memory_space<hbm>>
    %dma_start3A_14 = tpu.memref_squeeze %dma_start3A_13 : memref<1x768x1536xf32, #tpu.memory_space<hbm>> -> memref<768x1536xf32, #tpu.memory_space<hbm>>
    tpu.enqueue_dma source(%dma_start3A_14 : memref<768x1536xf32, #tpu.memory_space<hbm>>) target(%dma_start3A_10 : memref<768x1536xf32, #tpu.memory_space<vmem>>) target_semaphore(%dma_start3A_6 : memref<!tpu.dma_semaphore, #tpu.memory_space<semaphore_mem>>)
    %dma_start3A_15 = arith.constant 0 : i32
    %dma_start3A_16 = arith.constant 0 : i32
    %dma_start3A_17 = arith.constant 1 : i32
    %dma_start3A_18 = arith.constant 0 : i32
    %dma_start3A_19 = tpu.memref_slice %arg7[%dma_start3A_17, %dma_start3A_18] : memref<2x3x!tpu.dma_semaphore, #tpu.memory_space<semaphore_mem>> -> memref<1x1x!tpu.dma_semaphore, #tpu.memory_space<semaphore_mem>>
    %dma_start3A_20 = tpu.memref_squeeze %dma_start3A_19 : memref<1x1x!tpu.dma_semaphore, #tpu.memory_space<semaphore_mem>> -> memref<!tpu.dma_semaphore, #tpu.memory_space<semaphore_mem>>
    %dma_start3A_21 = arith.constant 0 : i32
    %dma_start3A_22 = arith.constant 0 : i32
    %dma_start3A_23 = tpu.memref_slice %arg9[%dma_start3A_16, %dma_start3A_21, %dma_start3A_22] : memref<3x1536x768xf32, #tpu.memory_space<vmem>> -> memref<1x1536x768xf32, #tpu.memory_space<vmem>>
    %dma_start3A_24 = tpu.memref_squeeze %dma_start3A_23 : memref<1x1536x768xf32, #tpu.memory_space<vmem>> -> memref<1536x768xf32, #tpu.memory_space<vmem>>
    %dma_start3A_25 = arith.constant 0 : i32
    %dma_start3A_26 = arith.constant 0 : i32
    %dma_start3A_27 = tpu.memref_slice %arg5[%dma_start3A_15, %dma_start3A_25, %dma_start3A_26] : memref<16x3072x768xf32, #tpu.memory_space<hbm>> -> memref<1x1536x768xf32, #tpu.memory_space<hbm>>
    %dma_start3A_28 = tpu.memref_squeeze %dma_start3A_27 : memref<1x1536x768xf32, #tpu.memory_space<hbm>> -> memref<1536x768xf32, #tpu.memory_space<hbm>>
    tpu.enqueue_dma source(%dma_start3A_28 : memref<1536x768xf32, #tpu.memory_space<hbm>>) target(%dma_start3A_24 : memref<1536x768xf32, #tpu.memory_space<vmem>>) target_semaphore(%dma_start3A_20 : memref<!tpu.dma_semaphore, #tpu.memory_space<semaphore_mem>>)
    %dma_start3A_29 = arith.constant 0 : i32
    %dma_start3A_30 = arith.constant 1 : i32
    %dma_start3A_31 = arith.constant 0 : i32
    %dma_start3A_32 = arith.constant 1 : i32
    %dma_start3A_33 = tpu.memref_slice %arg7[%dma_start3A_31, %dma_start3A_32] : memref<2x3x!tpu.dma_semaphore, #tpu.memory_space<semaphore_mem>> -> memref<1x1x!tpu.dma_semaphore, #tpu.memory_space<semaphore_mem>>
    %dma_start3A_34 = tpu.memref_squeeze %dma_start3A_33 : memref<1x1x!tpu.dma_semaphore, #tpu.memory_space<semaphore_mem>> -> memref<!tpu.dma_semaphore, #tpu.memory_space<semaphore_mem>>
    %dma_start3A_35 = arith.constant 0 : i32
    %dma_start3A_36 = arith.constant 0 : i32
    %dma_start3A_37 = tpu.memref_slice %arg8[%dma_start3A_30, %dma_start3A_35, %dma_start3A_36] : memref<3x768x1536xf32, #tpu.memory_space<vmem>> -> memref<1x768x1536xf32, #tpu.memory_space<vmem>>
    %dma_start3A_38 = tpu.memref_squeeze %dma_start3A_37 : memref<1x768x1536xf32, #tpu.memory_space<vmem>> -> memref<768x1536xf32, #tpu.memory_space<vmem>>
    %dma_start3A_39 = arith.constant 0 : i32
    %dma_start3A_40 = arith.constant 1536 : i32
    %dma_start3A_41 = tpu.memref_slice %arg4[%dma_start3A_29, %dma_start3A_39, %dma_start3A_40] : memref<16x768x3072xf32, #tpu.memory_space<hbm>> -> memref<1x768x1536xf32, #tpu.memory_space<hbm>>
    %dma_start3A_42 = tpu.memref_squeeze %dma_start3A_41 : memref<1x768x1536xf32, #tpu.memory_space<hbm>> -> memref<768x1536xf32, #tpu.memory_space<hbm>>
    tpu.enqueue_dma source(%dma_start3A_42 : memref<768x1536xf32, #tpu.memory_space<hbm>>) target(%dma_start3A_38 : memref<768x1536xf32, #tpu.memory_space<vmem>>) target_semaphore(%dma_start3A_34 : memref<!tpu.dma_semaphore, #tpu.memory_space<semaphore_mem>>)
    %dma_start3A_43 = arith.constant 0 : i32
    %dma_start3A_44 = arith.constant 1 : i32
    %dma_start3A_45 = arith.constant 1 : i32
    %dma_start3A_46 = arith.constant 1 : i32
    %dma_start3A_47 = tpu.memref_slice %arg7[%dma_start3A_45, %dma_start3A_46] : memref<2x3x!tpu.dma_semaphore, #tpu.memory_space<semaphore_mem>> -> memref<1x1x!tpu.dma_semaphore, #tpu.memory_space<semaphore_mem>>
    %dma_start3A_48 = tpu.memref_squeeze %dma_start3A_47 : memref<1x1x!tpu.dma_semaphore, #tpu.memory_space<semaphore_mem>> -> memref<!tpu.dma_semaphore, #tpu.memory_space<semaphore_mem>>
    %dma_start3A_49 = arith.constant 0 : i32
    %dma_start3A_50 = arith.constant 0 : i32
    %dma_start3A_51 = tpu.memref_slice %arg9[%dma_start3A_44, %dma_start3A_49, %dma_start3A_50] : memref<3x1536x768xf32, #tpu.memory_space<vmem>> -> memref<1x1536x768xf32, #tpu.memory_space<vmem>>
    %dma_start3A_52 = tpu.memref_squeeze %dma_start3A_51 : memref<1x1536x768xf32, #tpu.memory_space<vmem>> -> memref<1536x768xf32, #tpu.memory_space<vmem>>
    %dma_start3A_53 = arith.constant 1536 : i32
    %dma_start3A_54 = arith.constant 0 : i32
    %dma_start3A_55 = tpu.memref_slice %arg5[%dma_start3A_43, %dma_start3A_53, %dma_start3A_54] : memref<16x3072x768xf32, #tpu.memory_space<hbm>> -> memref<1x1536x768xf32, #tpu.memory_space<hbm>>
    %dma_start3A_56 = tpu.memref_squeeze %dma_start3A_55 : memref<1x1536x768xf32, #tpu.memory_space<hbm>> -> memref<1536x768xf32, #tpu.memory_space<hbm>>
    tpu.enqueue_dma source(%dma_start3A_56 : memref<1536x768xf32, #tpu.memory_space<hbm>>) target(%dma_start3A_52 : memref<1536x768xf32, #tpu.memory_space<vmem>>) target_semaphore(%dma_start3A_48 : memref<!tpu.dma_semaphore, #tpu.memory_space<semaphore_mem>>)
    %dma_start3A_57 = arith.constant 1 : i32
    %dma_start3A_58 = arith.constant 2 : i32
    %dma_start3A_59 = arith.constant 0 : i32
    %dma_start3A_60 = arith.constant 2 : i32
    %dma_start3A_61 = tpu.memref_slice %arg7[%dma_start3A_59, %dma_start3A_60] : memref<2x3x!tpu.dma_semaphore, #tpu.memory_space<semaphore_mem>> -> memref<1x1x!tpu.dma_semaphore, #tpu.memory_space<semaphore_mem>>
    %dma_start3A_62 = tpu.memref_squeeze %dma_start3A_61 : memref<1x1x!tpu.dma_semaphore, #tpu.memory_space<semaphore_mem>> -> memref<!tpu.dma_semaphore, #tpu.memory_space<semaphore_mem>>
    %dma_start3A_63 = arith.constant 0 : i32
    %dma_start3A_64 = arith.constant 0 : i32
    %dma_start3A_65 = tpu.memref_slice %arg8[%dma_start3A_58, %dma_start3A_63, %dma_start3A_64] : memref<3x768x1536xf32, #tpu.memory_space<vmem>> -> memref<1x768x1536xf32, #tpu.memory_space<vmem>>
    %dma_start3A_66 = tpu.memref_squeeze %dma_start3A_65 : memref<1x768x1536xf32, #tpu.memory_space<vmem>> -> memref<768x1536xf32, #tpu.memory_space<vmem>>
    %dma_start3A_67 = arith.constant 0 : i32
    %dma_start3A_68 = arith.constant 0 : i32
    %dma_start3A_69 = tpu.memref_slice %arg4[%dma_start3A_57, %dma_start3A_67, %dma_start3A_68] : memref<16x768x3072xf32, #tpu.memory_space<hbm>> -> memref<1x768x1536xf32, #tpu.memory_space<hbm>>
    %dma_start3A_70 = tpu.memref_squeeze %dma_start3A_69 : memref<1x768x1536xf32, #tpu.memory_space<hbm>> -> memref<768x1536xf32, #tpu.memory_space<hbm>>
    tpu.enqueue_dma source(%dma_start3A_70 : memref<768x1536xf32, #tpu.memory_space<hbm>>) target(%dma_start3A_66 : memref<768x1536xf32, #tpu.memory_space<vmem>>) target_semaphore(%dma_start3A_62 : memref<!tpu.dma_semaphore, #tpu.memory_space<semaphore_mem>>)
    %dma_start3A_71 = arith.constant 1 : i32
    %dma_start3A_72 = arith.constant 2 : i32
    %dma_start3A_73 = arith.constant 1 : i32
    %dma_start3A_74 = arith.constant 2 : i32
    %dma_start3A_75 = tpu.memref_slice %arg7[%dma_start3A_73, %dma_start3A_74] : memref<2x3x!tpu.dma_semaphore, #tpu.memory_space<semaphore_mem>> -> memref<1x1x!tpu.dma_semaphore, #tpu.memory_space<semaphore_mem>>
    %dma_start3A_76 = tpu.memref_squeeze %dma_start3A_75 : memref<1x1x!tpu.dma_semaphore, #tpu.memory_space<semaphore_mem>> -> memref<!tpu.dma_semaphore, #tpu.memory_space<semaphore_mem>>
    %dma_start3A_77 = arith.constant 0 : i32
    %dma_start3A_78 = arith.constant 0 : i32
    %dma_start3A_79 = tpu.memref_slice %arg9[%dma_start3A_72, %dma_start3A_77, %dma_start3A_78] : memref<3x1536x768xf32, #tpu.memory_space<vmem>> -> memref<1x1536x768xf32, #tpu.memory_space<vmem>>
    %dma_start3A_80 = tpu.memref_squeeze %dma_start3A_79 : memref<1x1536x768xf32, #tpu.memory_space<vmem>> -> memref<1536x768xf32, #tpu.memory_space<vmem>>
    %dma_start3A_81 = arith.constant 0 : i32
    %dma_start3A_82 = arith.constant 0 : i32
    %dma_start3A_83 = tpu.memref_slice %arg5[%dma_start3A_71, %dma_start3A_81, %dma_start3A_82] : memref<16x3072x768xf32, #tpu.memory_space<hbm>> -> memref<1x1536x768xf32, #tpu.memory_space<hbm>>
    %dma_start3A_84 = tpu.memref_squeeze %dma_start3A_83 : memref<1x1536x768xf32, #tpu.memory_space<hbm>> -> memref<1536x768xf32, #tpu.memory_space<hbm>>
    tpu.enqueue_dma source(%dma_start3A_84 : memref<1536x768xf32, #tpu.memory_space<hbm>>) target(%dma_start3A_80 : memref<1536x768xf32, #tpu.memory_space<vmem>>) target_semaphore(%dma_start3A_76 : memref<!tpu.dma_semaphore, #tpu.memory_space<semaphore_mem>>)
    %get3A_85 = arith.constant 0 : index
    %get3A_86 = arith.constant 0 : index
    %get3A_87 = vector.load %arg1[%get3A_85, %get3A_86] : memref<32x16xf32, #tpu.memory_space<vmem>>, vector<32x16xf32>
    %get3A_88 = arith.constant 0 : index
    %get3A_89 = arith.constant 0 : index
    %get3A_90 = vector.load %arg3[%get3A_88, %get3A_89] : memref<16x768xf32, #tpu.memory_space<vmem>>, vector<16x768xf32>
    %dot_general3A = arith.constant dense<0.000000e+00> : vector<32x768xf32>
    %dot_general3A_91 = tpu.matmul %get3A_87, %get3A_90, %dot_general3A {dimension_numbers = #tpu.dot_dimension_numbers<[1], [0], [0], [1], [0, 0, 1, 1], [], []>, transpose_lhs_hint = false} : vector<32x16xf32>, vector<16x768xf32>, vector<32x768xf32> -> vector<32x768xf32>
    %swap3A = arith.constant 0 : index
    %swap3A_92 = arith.constant 0 : index
    %swap3A_93 = vector.load %arg6[%swap3A, %swap3A_92] : memref<32x768xf32, #tpu.memory_space<vmem>>, vector<32x768xf32>
    tpu.vector_store %arg6[%swap3A, %swap3A_92], %dot_general3A_91 {strides = array<i32>} : memref<32x768xf32, #tpu.memory_space<vmem>>, vector<32x768xf32>,
    %scan3A = arith.constant 0 : i32
    %scan3A_94 = arith.constant 32 : i32
    %scan3A_95 = arith.addi %scan3A, %scan3A_94 : i32
    %scan3A_96 = arith.constant 1 : i32
    scf.for %scan3A_98 = %scan3A to %scan3A_95 step %scan3A_96  : i32 {
      %rem3A = arith.constant 3 : i32
      %rem3A_99 = arith.remsi %scan3A_98, %rem3A : i32
      %jit3A = arith.constant 2 : i32
      %div3A = arith.divsi %scan3A_98, %jit3A : i32
      %sign3A = arith.constant 0 : i32
      %sign3A_100 = arith.cmpi sgt, %scan3A_98, %sign3A : i32
      %sign3A_101 = arith.extui %sign3A_100 : i1 to i32
      %sign3A_102 = arith.constant 0 : i32
      %sign3A_103 = arith.cmpi slt, %scan3A_98, %sign3A_102 : i32
      %sign3A_104 = arith.extui %sign3A_103 : i1 to i32
      %sign3A_105 = arith.subi %sign3A_101, %sign3A_104 : i32
      %sign3A_106 = arith.constant 0 : i32
      %sign3A_107 = arith.cmpi sgt, %jit3A, %sign3A_106 : i32
      %sign3A_108 = arith.extui %sign3A_107 : i1 to i32
      %sign3A_109 = arith.constant 0 : i32
      %sign3A_110 = arith.cmpi slt, %jit3A, %sign3A_109 : i32
      %sign3A_111 = arith.extui %sign3A_110 : i1 to i32
      %sign3A_112 = arith.subi %sign3A_108, %sign3A_111 : i32
      %ne3A = arith.cmpi ne, %sign3A_105, %sign3A_112 : i32
      %rem3A_113 = arith.remsi %scan3A_98, %jit3A : i32
      %ne3A_114 = arith.constant 0 : i32
      %ne3A_115 = arith.cmpi ne, %rem3A_113, %ne3A_114 : i32
      %and3A = arith.andi %ne3A, %ne3A_115 : i1
      %sub3A = arith.constant 1 : i32
      %sub3A_116 = arith.subi %div3A, %sub3A : i32
      %select_n3A = arith.select %and3A, %sub3A_116, %div3A : i32
      %rem3A_117 = arith.constant 2 : i32
      %rem3A_118 = arith.remsi %scan3A_98, %rem3A_117 : i32
      %jit3A_119 = arith.constant 2 : i32
      %div3A_120 = arith.divsi %scan3A_98, %jit3A_119 : i32
      %sign3A_121 = arith.constant 0 : i32
      %sign3A_122 = arith.cmpi sgt, %scan3A_98, %sign3A_121 : i32
      %sign3A_123 = arith.extui %sign3A_122 : i1 to i32
      %sign3A_124 = arith.constant 0 : i32
      %sign3A_125 = arith.cmpi slt, %scan3A_98, %sign3A_124 : i32
      %sign3A_126 = arith.extui %sign3A_125 : i1 to i32
      %sign3A_127 = arith.subi %sign3A_123, %sign3A_126 : i32
      %sign3A_128 = arith.constant 0 : i32
      %sign3A_129 = arith.cmpi sgt, %jit3A_119, %sign3A_128 : i32
      %sign3A_130 = arith.extui %sign3A_129 : i1 to i32
      %sign3A_131 = arith.constant 0 : i32
      %sign3A_132 = arith.cmpi slt, %jit3A_119, %sign3A_131 : i32
      %sign3A_133 = arith.extui %sign3A_132 : i1 to i32
      %sign3A_134 = arith.subi %sign3A_130, %sign3A_133 : i32
      %ne3A_135 = arith.cmpi ne, %sign3A_127, %sign3A_134 : i32
      %rem3A_136 = arith.remsi %scan3A_98, %jit3A_119 : i32
      %ne3A_137 = arith.constant 0 : i32
      %ne3A_138 = arith.cmpi ne, %rem3A_136, %ne3A_137 : i32
      %and3A_139 = arith.andi %ne3A_135, %ne3A_138 : i1
      %sub3A_140 = arith.constant 1 : i32
      %sub3A_141 = arith.subi %div3A_120, %sub3A_140 : i32
      %select_n3A_142 = arith.select %and3A_139, %sub3A_141, %div3A_120 : i32
      %jit3A_143 = arith.constant 2 : i32
      %eq3A = arith.constant 0 : i32
      %eq3A_144 = arith.cmpi eq, %jit3A_143, %eq3A : i32
      %jit3A_145 = arith.constant 1 : i32
      %select_n3A_146 = arith.select %eq3A_144, %jit3A_145, %jit3A_143 : i32
      %rem3A_147 = arith.remsi %scan3A_98, %select_n3A_146 : i32
      %ne3A_148 = arith.constant 0 : i32
      %ne3A_149 = arith.cmpi ne, %rem3A_147, %ne3A_148 : i32
      %lt3A = arith.constant 0 : i32
      %lt3A_150 = arith.cmpi slt, %rem3A_147, %lt3A : i32
      %lt3A_151 = arith.constant 0 : i32
      %lt3A_152 = arith.cmpi slt, %select_n3A_146, %lt3A_151 : i32
      %ne3A_153 = arith.xori %lt3A_150, %lt3A_152 : i1
      %and3A_154 = arith.andi %ne3A_153, %ne3A_149 : i1
      %add3A = arith.addi %rem3A_147, %select_n3A_146 : i32
      %select_n3A_155 = arith.select %and3A_154, %add3A, %rem3A_147 : i32
      %mul3A = arith.constant 1536 : i32
      %mul3A_156 = arith.muli %select_n3A_155, %mul3A : i32
      %dma_wait3A = arith.constant 0 : i32
      %dma_wait3A_157 = tpu.memref_slice %arg7[%dma_wait3A, %rem3A_99] : memref<2x3x!tpu.dma_semaphore, #tpu.memory_space<semaphore_mem>> -> memref<1x1x!tpu.dma_semaphore, #tpu.memory_space<semaphore_mem>>
      %dma_wait3A_158 = tpu.memref_squeeze %dma_wait3A_157 : memref<1x1x!tpu.dma_semaphore, #tpu.memory_space<semaphore_mem>> -> memref<!tpu.dma_semaphore, #tpu.memory_space<semaphore_mem>>
      %dma_wait3A_159 = arith.constant 0 : i32
      %dma_wait3A_160 = arith.constant 0 : i32
      %dma_wait3A_161 = tpu.memref_slice %arg8[%rem3A_99, %dma_wait3A_159, %dma_wait3A_160] : memref<3x768x1536xf32, #tpu.memory_space<vmem>> -> memref<1x768x1536xf32, #tpu.memory_space<vmem>>
      %dma_wait3A_162 = tpu.memref_squeeze %dma_wait3A_161 : memref<1x768x1536xf32, #tpu.memory_space<vmem>> -> memref<768x1536xf32, #tpu.memory_space<vmem>>
      %dma_wait3A_163 = arith.constant 0 : i32
      %dma_wait3A_164 = tpu.memref_slice %arg4[%select_n3A_142, %dma_wait3A_163, %mul3A_156] : memref<16x768x3072xf32, #tpu.memory_space<hbm>> -> memref<1x768x1536xf32, #tpu.memory_space<hbm>>
      %dma_wait3A_165 = tpu.memref_squeeze %dma_wait3A_164 : memref<1x768x1536xf32, #tpu.memory_space<hbm>> -> memref<768x1536xf32, #tpu.memory_space<hbm>>
      tpu.wait_dma2 semaphore(%dma_wait3A_158 : memref<!tpu.dma_semaphore, #tpu.memory_space<semaphore_mem>>) src(%dma_wait3A_165 : memref<768x1536xf32, #tpu.memory_space<hbm>>) dst(%dma_wait3A_162 : memref<768x1536xf32, #tpu.memory_space<vmem>>)
      %jit3A_166 = arith.constant 2 : i32
      %div3A_167 = arith.divsi %scan3A_98, %jit3A_166 : i32
      %sign3A_168 = arith.constant 0 : i32
      %sign3A_169 = arith.cmpi sgt, %scan3A_98, %sign3A_168 : i32
      %sign3A_170 = arith.extui %sign3A_169 : i1 to i32
      %sign3A_171 = arith.constant 0 : i32
      %sign3A_172 = arith.cmpi slt, %scan3A_98, %sign3A_171 : i32
      %sign3A_173 = arith.extui %sign3A_172 : i1 to i32
      %sign3A_174 = arith.subi %sign3A_170, %sign3A_173 : i32
      %sign3A_175 = arith.constant 0 : i32
      %sign3A_176 = arith.cmpi sgt, %jit3A_166, %sign3A_175 : i32
      %sign3A_177 = arith.extui %sign3A_176 : i1 to i32
      %sign3A_178 = arith.constant 0 : i32
      %sign3A_179 = arith.cmpi slt, %jit3A_166, %sign3A_178 : i32
      %sign3A_180 = arith.extui %sign3A_179 : i1 to i32
      %sign3A_181 = arith.subi %sign3A_177, %sign3A_180 : i32
      %ne3A_182 = arith.cmpi ne, %sign3A_174, %sign3A_181 : i32
      %rem3A_183 = arith.remsi %scan3A_98, %jit3A_166 : i32
      %ne3A_184 = arith.constant 0 : i32
      %ne3A_185 = arith.cmpi ne, %rem3A_183, %ne3A_184 : i32
      %and3A_186 = arith.andi %ne3A_182, %ne3A_185 : i1
      %sub3A_187 = arith.constant 1 : i32
      %sub3A_188 = arith.subi %div3A_167, %sub3A_187 : i32
      %select_n3A_189 = arith.select %and3A_186, %sub3A_188, %div3A_167 : i32
      %jit3A_190 = arith.constant 2 : i32
      %eq3A_191 = arith.constant 0 : i32
      %eq3A_192 = arith.cmpi eq, %jit3A_190, %eq3A_191 : i32
      %jit3A_193 = arith.constant 1 : i32
      %select_n3A_194 = arith.select %eq3A_192, %jit3A_193, %jit3A_190 : i32
      %rem3A_195 = arith.remsi %scan3A_98, %select_n3A_194 : i32
      %ne3A_196 = arith.constant 0 : i32
      %ne3A_197 = arith.cmpi ne, %rem3A_195, %ne3A_196 : i32
      %lt3A_198 = arith.constant 0 : i32
      %lt3A_199 = arith.cmpi slt, %rem3A_195, %lt3A_198 : i32
      %lt3A_200 = arith.constant 0 : i32
      %lt3A_201 = arith.cmpi slt, %select_n3A_194, %lt3A_200 : i32
      %ne3A_202 = arith.xori %lt3A_199, %lt3A_201 : i1
      %and3A_203 = arith.andi %ne3A_202, %ne3A_197 : i1
      %add3A_204 = arith.addi %rem3A_195, %select_n3A_194 : i32
      %select_n3A_205 = arith.select %and3A_203, %add3A_204, %rem3A_195 : i32
      %mul3A_206 = arith.constant 1536 : i32
      %mul3A_207 = arith.muli %select_n3A_205, %mul3A_206 : i32
      %dma_wait3A_208 = arith.constant 1 : i32
      %dma_wait3A_209 = tpu.memref_slice %arg7[%dma_wait3A_208, %rem3A_99] : memref<2x3x!tpu.dma_semaphore, #tpu.memory_space<semaphore_mem>> -> memref<1x1x!tpu.dma_semaphore, #tpu.memory_space<semaphore_mem>>
      %dma_wait3A_210 = tpu.memref_squeeze %dma_wait3A_209 : memref<1x1x!tpu.dma_semaphore, #tpu.memory_space<semaphore_mem>> -> memref<!tpu.dma_semaphore, #tpu.memory_space<semaphore_mem>>
      %dma_wait3A_211 = arith.constant 0 : i32
      %dma_wait3A_212 = arith.constant 0 : i32
      %dma_wait3A_213 = tpu.memref_slice %arg9[%rem3A_99, %dma_wait3A_211, %dma_wait3A_212] : memref<3x1536x768xf32, #tpu.memory_space<vmem>> -> memref<1x1536x768xf32, #tpu.memory_space<vmem>>
      %dma_wait3A_214 = tpu.memref_squeeze %dma_wait3A_213 : memref<1x1536x768xf32, #tpu.memory_space<vmem>> -> memref<1536x768xf32, #tpu.memory_space<vmem>>
      %dma_wait3A_215 = arith.constant 0 : i32
      %dma_wait3A_216 = tpu.memref_slice %arg5[%select_n3A_189, %mul3A_207, %dma_wait3A_215] : memref<16x3072x768xf32, #tpu.memory_space<hbm>> -> memref<1x1536x768xf32, #tpu.memory_space<hbm>>
      %dma_wait3A_217 = tpu.memref_squeeze %dma_wait3A_216 : memref<1x1536x768xf32, #tpu.memory_space<hbm>> -> memref<1536x768xf32, #tpu.memory_space<hbm>>
      tpu.wait_dma2 semaphore(%dma_wait3A_210 : memref<!tpu.dma_semaphore, #tpu.memory_space<semaphore_mem>>) src(%dma_wait3A_217 : memref<1536x768xf32, #tpu.memory_space<hbm>>) dst(%dma_wait3A_214 : memref<1536x768xf32, #tpu.memory_space<vmem>>)
      %iota3A = tpu.iota {dimensions = array<i32: 1>} : vector<32x16xi32>
      %eq3A_218 = vector.broadcast %select_n3A : i32 to vector<32x16xi32>
      %eq3A_219 = arith.cmpi eq, %iota3A, %eq3A_218 : vector<32x16xi32>
      %get3A_220 = arith.constant 0 : index
      %get3A_221 = arith.constant 0 : index
      %get3A_222 = vector.load %arg1[%get3A_220, %get3A_221] : memref<32x16xf32, #tpu.memory_space<vmem>>, vector<32x16xf32>
      %jit3A_223 = arith.constant 0.000000e+00 : f32
      %broadcast_in_dim3A = vector.broadcast %jit3A_223 : f32 to vector<32x16xf32>
      %select_n3A_224 = arith.select %eq3A_219, %get3A_222, %broadcast_in_dim3A : vector<32x16xi1>, vector<32x16xf32>
      %reduce_sum3A = arith.constant dense<0.000000e+00> : vector<32xf32>
      %reduce_sum3A_225 = vector.multi_reduction <add>, %select_n3A_224, %reduce_sum3A [1] : vector<32x16xf32> to vector<32xf32>
      %broadcast_in_dim3A_226 = vector.shape_cast %reduce_sum3A_225 : vector<32xf32> to vector<32x1xf32>
      %get3A_227 = arith.index_cast %rem3A_99 : i32 to index
      %get3A_228 = arith.constant 0 : index
      %get3A_229 = arith.constant 0 : index
      %get3A_230 = vector.load %arg8[%get3A_227, %get3A_228, %get3A_229] : memref<3x768x1536xf32, #tpu.memory_space<vmem>>, vector<1x768x1536xf32>
      %get3A_231 = vector.shape_cast %get3A_230 : vector<1x768x1536xf32> to vector<768x1536xf32>
      %dot_general3A_232 = arith.constant dense<0.000000e+00> : vector<32x1536xf32>
      %dot_general3A_233 = tpu.matmul %get3A_1, %get3A_231, %dot_general3A_232 {dimension_numbers = #tpu.dot_dimension_numbers<[1], [0], [0], [1], [0, 0, 1, 1], [], []>, transpose_lhs_hint = false} : vector<32x768xf32>, vector<768x1536xf32>, vector<32x1536xf32> -> vector<32x1536xf32>
      %mul3A_234 = arith.constant 1536 : i32
      %mul3A_235 = arith.muli %rem3A_118, %mul3A_234 : i32
      %get3A_236 = arith.index_cast %select_n3A : i32 to index
      %get3A_237 = arith.index_cast %mul3A_235 : i32 to index
      %get3A_238 = vector.load %arg2[%get3A_236, %get3A_237] : memref<16x3072xf32, #tpu.memory_space<vmem>>, vector<1x1536xf32>
      %add3A_239 = vector.broadcast %get3A_238 : vector<1x1536xf32> to vector<32x1536xf32>
      %add3A_240 = arith.addf %dot_general3A_233, %add3A_239 : vector<32x1536xf32>
      %max3A = arith.constant 0.000000e+00 : f32
      %max3A_241 = vector.broadcast %max3A : f32 to vector<32x1536xf32>
      %max3A_242 = arith.maximumf %add3A_240, %max3A_241 : vector<32x1536xf32>
      %mul3A_243 = vector.broadcast %broadcast_in_dim3A_226 : vector<32x1xf32> to vector<32x1536xf32>
      %mul3A_244 = arith.mulf %mul3A_243, %max3A_242 : vector<32x1536xf32>
      %get3A_245 = arith.index_cast %rem3A_99 : i32 to index
      %get3A_246 = arith.constant 0 : index
      %get3A_247 = arith.constant 0 : index
      %get3A_248 = vector.load %arg9[%get3A_245, %get3A_246, %get3A_247] : memref<3x1536x768xf32, #tpu.memory_space<vmem>>, vector<1x1536x768xf32>
      %get3A_249 = vector.shape_cast %get3A_248 : vector<1x1536x768xf32> to vector<1536x768xf32>
      %dot_general3A_250 = arith.constant dense<0.000000e+00> : vector<32x768xf32>
      %dot_general3A_251 = tpu.matmul %mul3A_244, %get3A_249, %dot_general3A_250 {dimension_numbers = #tpu.dot_dimension_numbers<[1], [0], [0], [1], [0, 0, 1, 1], [], []>, transpose_lhs_hint = false} : vector<32x1536xf32>, vector<1536x768xf32>, vector<32x768xf32> -> vector<32x768xf32>
      %get3A_252 = arith.constant 0 : index
      %get3A_253 = arith.constant 0 : index
      %get3A_254 = vector.load %arg6[%get3A_252, %get3A_253] : memref<32x768xf32, #tpu.memory_space<vmem>>, vector<32x768xf32>
      %add3A_255 = arith.addf %get3A_254, %dot_general3A_251 : vector<32x768xf32>
      %swap3A_256 = arith.constant 0 : index
      %swap3A_257 = arith.constant 0 : index
      %swap3A_258 = vector.load %arg6[%swap3A_256, %swap3A_257] : memref<32x768xf32, #tpu.memory_space<vmem>>, vector<32x768xf32>
      tpu.vector_store %arg6[%swap3A_256, %swap3A_257], %add3A_255 {strides = array<i32>} : memref<32x768xf32, #tpu.memory_space<vmem>>, vector<32x768xf32>,
      %add3A_259 = arith.constant 3 : i32
      %add3A_260 = arith.addi %scan3A_98, %add3A_259 : i32
      %lt3A_261 = arith.constant 32 : i32
      %lt3A_262 = arith.cmpi slt, %add3A_260, %lt3A_261 : i32
      %convert_element_type3A = arith.extui %lt3A_262 : i1 to i32
      %cond3A = arith.constant 0 : i32
      %cond3A_263 = arith.cmpi ne, %convert_element_type3A, %cond3A : i32
      scf.if %cond3A_263 {
        %add3A_264 = arith.constant 3 : i32
        %add3A_265 = arith.addi %scan3A_98, %add3A_264 : i32
        %jit3A_266 = arith.constant 2 : i32
        %div3A_267 = arith.divsi %add3A_265, %jit3A_266 : i32
        %sign3A_268 = arith.constant 0 : i32
        %sign3A_269 = arith.cmpi sgt, %add3A_265, %sign3A_268 : i32
        %sign3A_270 = arith.extui %sign3A_269 : i1 to i32
        %sign3A_271 = arith.constant 0 : i32
        %sign3A_272 = arith.cmpi slt, %add3A_265, %sign3A_271 : i32
        %sign3A_273 = arith.extui %sign3A_272 : i1 to i32
        %sign3A_274 = arith.subi %sign3A_270, %sign3A_273 : i32
        %sign3A_275 = arith.constant 0 : i32
        %sign3A_276 = arith.cmpi sgt, %jit3A_266, %sign3A_275 : i32
        %sign3A_277 = arith.extui %sign3A_276 : i1 to i32
        %sign3A_278 = arith.constant 0 : i32
        %sign3A_279 = arith.cmpi slt, %jit3A_266, %sign3A_278 : i32
        %sign3A_280 = arith.extui %sign3A_279 : i1 to i32
        %sign3A_281 = arith.subi %sign3A_277, %sign3A_280 : i32
        %ne3A_282 = arith.cmpi ne, %sign3A_274, %sign3A_281 : i32
        %rem3A_283 = arith.remsi %add3A_265, %jit3A_266 : i32
        %ne3A_284 = arith.constant 0 : i32
        %ne3A_285 = arith.cmpi ne, %rem3A_283, %ne3A_284 : i32
        %and3A_286 = arith.andi %ne3A_282, %ne3A_285 : i1
        %sub3A_287 = arith.constant 1 : i32
        %sub3A_288 = arith.subi %div3A_267, %sub3A_287 : i32
        %select_n3A_289 = arith.select %and3A_286, %sub3A_288, %div3A_267 : i32
        %jit3A_290 = arith.constant 2 : i32
        %eq3A_291 = arith.constant 0 : i32
        %eq3A_292 = arith.cmpi eq, %jit3A_290, %eq3A_291 : i32
        %jit3A_293 = arith.constant 1 : i32
        %select_n3A_294 = arith.select %eq3A_292, %jit3A_293, %jit3A_290 : i32
        %rem3A_295 = arith.remsi %add3A_265, %select_n3A_294 : i32
        %ne3A_296 = arith.constant 0 : i32
        %ne3A_297 = arith.cmpi ne, %rem3A_295, %ne3A_296 : i32
        %lt3A_298 = arith.constant 0 : i32
        %lt3A_299 = arith.cmpi slt, %rem3A_295, %lt3A_298 : i32
        %lt3A_300 = arith.constant 0 : i32
        %lt3A_301 = arith.cmpi slt, %select_n3A_294, %lt3A_300 : i32
        %ne3A_302 = arith.xori %lt3A_299, %lt3A_301 : i1
        %and3A_303 = arith.andi %ne3A_302, %ne3A_297 : i1
        %add3A_304 = arith.addi %rem3A_295, %select_n3A_294 : i32
        %select_n3A_305 = arith.select %and3A_303, %add3A_304, %rem3A_295 : i32
        %mul3A_306 = arith.constant 1536 : i32
        %mul3A_307 = arith.muli %select_n3A_305, %mul3A_306 : i32
        %dma_start3A_308 = arith.constant 0 : i32
        %dma_start3A_309 = tpu.memref_slice %arg7[%dma_start3A_308, %rem3A_99] : memref<2x3x!tpu.dma_semaphore, #tpu.memory_space<semaphore_mem>> -> memref<1x1x!tpu.dma_semaphore, #tpu.memory_space<semaphore_mem>>
        %dma_start3A_310 = tpu.memref_squeeze %dma_start3A_309 : memref<1x1x!tpu.dma_semaphore, #tpu.memory_space<semaphore_mem>> -> memref<!tpu.dma_semaphore, #tpu.memory_space<semaphore_mem>>
        %dma_start3A_311 = arith.constant 0 : i32
        %dma_start3A_312 = arith.constant 0 : i32
        %dma_start3A_313 = tpu.memref_slice %arg8[%rem3A_99, %dma_start3A_311, %dma_start3A_312] : memref<3x768x1536xf32, #tpu.memory_space<vmem>> -> memref<1x768x1536xf32, #tpu.memory_space<vmem>>
        %dma_start3A_314 = tpu.memref_squeeze %dma_start3A_313 : memref<1x768x1536xf32, #tpu.memory_space<vmem>> -> memref<768x1536xf32, #tpu.memory_space<vmem>>
        %dma_start3A_315 = arith.constant 0 : i32
        %dma_start3A_316 = tpu.memref_slice %arg4[%select_n3A_289, %dma_start3A_315, %mul3A_307] : memref<16x768x3072xf32, #tpu.memory_space<hbm>> -> memref<1x768x1536xf32, #tpu.memory_space<hbm>>
        %dma_start3A_317 = tpu.memref_squeeze %dma_start3A_316 : memref<1x768x1536xf32, #tpu.memory_space<hbm>> -> memref<768x1536xf32, #tpu.memory_space<hbm>>
        tpu.enqueue_dma source(%dma_start3A_317 : memref<768x1536xf32, #tpu.memory_space<hbm>>) target(%dma_start3A_314 : memref<768x1536xf32, #tpu.memory_space<vmem>>) target_semaphore(%dma_start3A_310 : memref<!tpu.dma_semaphore, #tpu.memory_space<semaphore_mem>>)
        %add3A_318 = arith.constant 3 : i32
        %add3A_319 = arith.addi %scan3A_98, %add3A_318 : i32
        %jit3A_320 = arith.constant 2 : i32
        %div3A_321 = arith.divsi %add3A_319, %jit3A_320 : i32
        %sign3A_322 = arith.constant 0 : i32
        %sign3A_323 = arith.cmpi sgt, %add3A_319, %sign3A_322 : i32
        %sign3A_324 = arith.extui %sign3A_323 : i1 to i32
        %sign3A_325 = arith.constant 0 : i32
        %sign3A_326 = arith.cmpi slt, %add3A_319, %sign3A_325 : i32
        %sign3A_327 = arith.extui %sign3A_326 : i1 to i32
        %sign3A_328 = arith.subi %sign3A_324, %sign3A_327 : i32
        %sign3A_329 = arith.constant 0 : i32
        %sign3A_330 = arith.cmpi sgt, %jit3A_320, %sign3A_329 : i32
        %sign3A_331 = arith.extui %sign3A_330 : i1 to i32
        %sign3A_332 = arith.constant 0 : i32
        %sign3A_333 = arith.cmpi slt, %jit3A_320, %sign3A_332 : i32
        %sign3A_334 = arith.extui %sign3A_333 : i1 to i32
        %sign3A_335 = arith.subi %sign3A_331, %sign3A_334 : i32
        %ne3A_336 = arith.cmpi ne, %sign3A_328, %sign3A_335 : i32
        %rem3A_337 = arith.remsi %add3A_319, %jit3A_320 : i32
        %ne3A_338 = arith.constant 0 : i32
        %ne3A_339 = arith.cmpi ne, %rem3A_337, %ne3A_338 : i32
        %and3A_340 = arith.andi %ne3A_336, %ne3A_339 : i1
        %sub3A_341 = arith.constant 1 : i32
        %sub3A_342 = arith.subi %div3A_321, %sub3A_341 : i32
        %select_n3A_343 = arith.select %and3A_340, %sub3A_342, %div3A_321 : i32
        %jit3A_344 = arith.constant 2 : i32
        %eq3A_345 = arith.constant 0 : i32
        %eq3A_346 = arith.cmpi eq, %jit3A_344, %eq3A_345 : i32
        %jit3A_347 = arith.constant 1 : i32
        %select_n3A_348 = arith.select %eq3A_346, %jit3A_347, %jit3A_344 : i32
        %rem3A_349 = arith.remsi %add3A_319, %select_n3A_348 : i32
        %ne3A_350 = arith.constant 0 : i32
        %ne3A_351 = arith.cmpi ne, %rem3A_349, %ne3A_350 : i32
        %lt3A_352 = arith.constant 0 : i32
        %lt3A_353 = arith.cmpi slt, %rem3A_349, %lt3A_352 : i32
        %lt3A_354 = arith.constant 0 : i32
        %lt3A_355 = arith.cmpi slt, %select_n3A_348, %lt3A_354 : i32
        %ne3A_356 = arith.xori %lt3A_353, %lt3A_355 : i1
        %and3A_357 = arith.andi %ne3A_356, %ne3A_351 : i1
        %add3A_358 = arith.addi %rem3A_349, %select_n3A_348 : i32
        %select_n3A_359 = arith.select %and3A_357, %add3A_358, %rem3A_349 : i32
        %mul3A_360 = arith.constant 1536 : i32
        %mul3A_361 = arith.muli %select_n3A_359, %mul3A_360 : i32
        %dma_start3A_362 = arith.constant 1 : i32
        %dma_start3A_363 = tpu.memref_slice %arg7[%dma_start3A_362, %rem3A_99] : memref<2x3x!tpu.dma_semaphore, #tpu.memory_space<semaphore_mem>> -> memref<1x1x!tpu.dma_semaphore, #tpu.memory_space<semaphore_mem>>
        %dma_start3A_364 = tpu.memref_squeeze %dma_start3A_363 : memref<1x1x!tpu.dma_semaphore, #tpu.memory_space<semaphore_mem>> -> memref<!tpu.dma_semaphore, #tpu.memory_space<semaphore_mem>>
        %dma_start3A_365 = arith.constant 0 : i32
        %dma_start3A_366 = arith.constant 0 : i32
        %dma_start3A_367 = tpu.memref_slice %arg9[%rem3A_99, %dma_start3A_365, %dma_start3A_366] : memref<3x1536x768xf32, #tpu.memory_space<vmem>> -> memref<1x1536x768xf32, #tpu.memory_space<vmem>>
        %dma_start3A_368 = tpu.memref_squeeze %dma_start3A_367 : memref<1x1536x768xf32, #tpu.memory_space<vmem>> -> memref<1536x768xf32, #tpu.memory_space<vmem>>
        %dma_start3A_369 = arith.constant 0 : i32
        %dma_start3A_370 = tpu.memref_slice %arg5[%select_n3A_343, %mul3A_361, %dma_start3A_369] : memref<16x3072x768xf32, #tpu.memory_space<hbm>> -> memref<1x1536x768xf32, #tpu.memory_space<hbm>>
        %dma_start3A_371 = tpu.memref_squeeze %dma_start3A_370 : memref<1x1536x768xf32, #tpu.memory_space<hbm>> -> memref<1536x768xf32, #tpu.memory_space<hbm>>
        tpu.enqueue_dma source(%dma_start3A_371 : memref<1536x768xf32, #tpu.memory_space<hbm>>) target(%dma_start3A_368 : memref<1536x768xf32, #tpu.memory_space<vmem>>) target_semaphore(%dma_start3A_364 : memref<!tpu.dma_semaphore, #tpu.memory_space<semaphore_mem>>)
      } else {
      }
    }
    %scan3A_97 = arith.constant 32 : i32
    return
  }
}

</mosaic_0001>

<sc_bundles>
// kernel: kernel.5.cloned.1.call-start
scs
__scs_entry_jumppad:
0x0: {  	(pc) =	sbr.rel $0x88, $3  }
0x1: {  	(tag) =	ssettag $0x0;
	lr =	simm.s32 $0x1  }
0x2: {  	[smem:$0x3F9A] =	sst lr;
	_ =	strace $0xD0000000  }
0x3: {  	_ = 	snop  }
0x4: {  	_ = 	snop  }
0x5: {  	_ = 	snop  }
0x6: {  	_ = 	snop  }
0x7: {  	_ = 	snop  }
__scs_overlays_trampoline_lowered:
0x8: {  	[smem:$0x3FA9] =	sst s0  }
0x9: {  	[smem:$0x3FAA] =	sst s1  }
0xa: {  	[smem:$0x3FAB] =	sst s2  }
0xb: {  	[smem:$0x3FAC] =	sst s3  }
0xc: {  	[smem:$0x3FAD] =	sst s4  }
0xd: {  	[smem:$0x3FAE] =	sst s5  }
0xe: {  	[smem:$0x3FAF] =	sst s6  }
0xf: {  	[smem:$0x3FB0] =	sst s7  }
0x10: {  	[smem:$0x3FB1] =	sst s8  }
0x11: {  	[smem:$0x3FB2] =	sst s9;
	s0 =	simm.s32 @!p0 $0x0  }
0x12: {  	s1 =	sld [smem:$0x3F98];
	s0 =	simm.s32 @p0 $0x1  }
0x13: {  	[smem:$0x3FB3] =	sst s0;
	s0 =	simm.s32 @!p1 $0x0  }
0x14: {  	s2 =	sld [smem:$0x3F97];
	s0 =	simm.s32 @p1 $0x1  }
0x15: {  	[smem:$0x3FB4] =	sst s0;
	s0 =	simm.s32 @!p2 $0x0  }
0x16: {  	s3 =	sld [smem:$0x3FDB];
	s0 =	simm.s32 @p2 $0x1  }
0x17: {  	s4 =	simm.s32 $0x1BF5;
	[smem:$0x3FB6] =	sst s0  }
0x18: {  	s0 =	sld [smem:$0x3F99];
	_ =	swait.ge [sflag:s4], $0x0  }
0x19: {  	s7 =	sld [smem:$0x3F9A]  }
0x1a: {  	s8 =	sadd.s32 $0xFFFFE003, lr  }
0x1b: {  	s9 =	sadd.s32 $0xFFFFFEF7, lr;
	s5 =	simm.s32 $0xFFFFFFFF;
	p2 =	slt.u32 s8, $0xFFFFF086  }
0x1c: {  	p1 =	slt.u32 s9, $0xF7A;
	s5 =	simm.s32 @!p2 $0x0  }
0x1d: {  	s5 =	simm.s32 @p1 $0x1;
	p0 =	seq.s32 s7, s2  }
0x1e: {  	s7 =	smul.u32 @!p0 $0xF7A, s2;
	p2 =	seq.s32 @!p0 s5, $0x0  }
0x1f: {  	s9 =	smul.u32 $0xF7A, s1;
	s8 =	simm.s32 @!p0 $0x1BF5;
	p2 =	por !p2, p0  }
0x20: {  	[sflag:s8] =	ssyncset.s32 @!p0 $0xFFFFF086;
	s6 =	sadd.s32 @!p0 s3, s7;
	s7 =	simm.s32 @!p0 $0x108  }
0x21: {  	s3 =	sadd.s32 s3, s9;
	s6 =	sadd.s32 @!p0 $0x88, s6;
	s7 =	simm.s32 @p2 $0x1082  }
0x22: {  	[simem:s7], [sflag:s8] =	dma.local @!p0 [hbm:s6], $0xF7A  }
0x23: {  	s9 =	sor.u32 $0xD0000000, s2;
	s6 =	simm.s32 $0x108;
	_ =	swait.ge @!p0 [sflag:s8], $0x0  }
0x24: {  	s3 =	sadd.s32 $0x88, s3;
	s6 =	simm.s32 @!p1 $0x1082;
	[sflag:s4] =	ssyncset.s32 $0xFFFFF086  }
0x25: {  	[simem:s6], [sflag:s4] =	dma.local [hbm:s3], $0xF7A  }
0x26: {  	[smem:$0x3F9A] =	sst s1;
	(tag) =	ssettag s2;
	_ =	strace s9  }
0x27: {  	s1 =	sld [smem:$0x3FAA]  }
0x28: {  	s2 =	sld [smem:$0x3FAB]  }
0x29: {  	s4 =	sld [smem:$0x3FAD]  }
0x2a: {  	p0 =	seq.s32 s5, $0x0;
	s5 =	sld [smem:$0x3FAE]  }
0x2b: {  	s6 =	sld [smem:$0x3FAF]  }
0x2c: {  	s7 =	sld [smem:$0x3FB0]  }
0x2d: {  	s3 =	simm.s32 $0x108;
	s8 =	sld [smem:$0x3FB1]  }
0x2e: {  	s3 =	simm.s32 @!p0 $0x1082;
	s9 =	sld [smem:$0x3FB2]  }
0x2f: {  	lr =	sadd.s32 s0, s3;
	s0 =	sld [smem:$0x3FA9]  }
0x30: {  	s3 =	sld [smem:$0x3FAC]  }
0x31: {  	[smem:$0x3FB5] =	sst s10  }
0x32: {  	s10 =	sld [smem:$0x3FB3];
	_ =	sdelay $0x3  }
0x33: {  	p0 =	seq.s32 s10, $0x1;
	s10 =	sld [smem:$0x3FB5];
	_ =	sdelay $0x3  }
0x34: {  	[smem:$0x3FB5] =	sst s10  }
0x35: {  	s10 =	sld [smem:$0x3FB4];
	_ =	sdelay $0x3  }
0x36: {  	p1 =	seq.s32 s10, $0x1;
	s10 =	sld [smem:$0x3FB5];
	_ =	sdelay $0x3  }
0x37: {  	[smem:$0x3FB5] =	sst s10  }
0x38: {  	s10 =	sld [smem:$0x3FB6]  }
0x39: {  	_ = 	snop;
	(pc) =	sbr.ind lr, $3  }
0x3a: {  	_ = 	snop  }
0x3b: {  	_ = 	snop  }
0x3c: {  	p2 =	seq.s32 s10, $0x1;
	s10 =	sld [smem:$0x3FB5]  }
0x3d: {  	_ =	shalt  }
0x3e: {  	_ =	shalt  }
0x3f: {  	_ =	shalt  }
0x40: {  	_ =	shalt  }
0x41: {  	_ =	shalt  }
0x42: {  	_ =	shalt  }
0x43: {  	_ =	shalt  }
0x44: {  	_ =	shalt  }
0x45: {  	_ =	shalt  }
0x46: {  	_ =	shalt  }
0x47: {  	_ =	shalt  }
0x48: {  	_ =	shalt  }
0x49: {  	_ =	shalt  }
0x4a: {  	_ =	shalt  }
0x4b: {  	_ =	shalt  }
0x4c: {  	_ =	shalt  }
0x4d: {  	_ =	shalt  }
0x4e: {  	_ =	shalt  }
0x4f: {  	_ =	shalt  }
0x50: {  	_ =	shalt  }
0x51: {  	_ =	shalt  }
0x52: {  	_ =	shalt  }
0x53: {  	_ =	shalt  }
0x54: {  	_ =	shalt  }
0x55: {  	_ =	shalt  }
0x56: {  	_ =	shalt  }
0x57: {  	_ =	shalt  }
0x58: {  	_ =	shalt  }
0x59: {  	_ =	shalt  }
0x5a: {  	_ =	shalt  }
0x5b: {  	_ =	shalt  }
0x5c: {  	_ =	shalt  }
0x5d: {  	_ =	shalt  }
0x5e: {  	_ =	shalt  }
0x5f: {  	_ =	shalt  }
0x60: {  	_ =	shalt  }
0x61: {  	_ =	shalt  }
0x62: {  	_ =	shalt  }
0x63: {  	_ =	shalt  }
0x64: {  	_ =	shalt  }
0x65: {  	_ =	shalt  }
0x66: {  	_ =	shalt  }
0x67: {  	_ =	shalt  }
0x68: {  	_ =	shalt  }
0x69: {  	_ =	shalt  }
0x6a: {  	_ =	shalt  }
0x6b: {  	_ =	shalt  }
0x6c: {  	_ =	shalt  }
0x6d: {  	_ =	shalt  }
0x6e: {  	_ =	shalt  }
0x6f: {  	_ =	shalt  }
0x70: {  	_ =	shalt  }
0x71: {  	_ =	shalt  }
0x72: {  	_ =	shalt  }
0x73: {  	_ =	shalt  }
0x74: {  	_ =	shalt  }
0x75: {  	_ =	shalt  }
0x76: {  	_ =	shalt  }
0x77: {  	_ =	shalt  }
0x78: {  	_ =	shalt  }
0x79: {  	_ =	shalt  }
0x7a: {  	_ =	shalt  }
0x7b: {  	_ =	shalt  }
0x7c: {  	_ =	shalt  }
0x7d: {  	_ =	shalt  }
0x7e: {  	_ =	shalt  }
0x7f: {  	_ =	shalt  }
0x80: {  	_ =	shalt  }
0x81: {  	_ =	shalt  }
0x82: {  	_ =	shalt  }
0x83: {  	_ =	shalt  }
0x84: {  	_ =	shalt  }
0x85: {  	_ =	shalt  }
0x86: {  	_ =	shalt  }
0x87: {  	_ =	shalt  }
.Lfunc_end0:
.L_simem_size_0:
called_computation_lowered:
.L_overlay_start_0:
0x88: {  	s2 =	sld [smem:$0x3FD9]  }
0x89: {  	s3 =	sld [smem:$0x3FFE];
	_ =	sdelay $0x1  }
0x8a: {  	s1 =	srdreg.scid  }
0x8b: {  	s0 =	sand.u32 $0x1, s1  }
0x8c: {  	s17 =	sshll.u32 s0, $0xA;
	s2 =	sadd.s32 s3, s2  }
0x8d: {  	s2 =	sadd.s32 s2, s17  }
0x8e: {  	[smem:$0x3FC1] =	sst s2  }
0x8f: {  	_ = 	snop  }
0x90: {  	s2 =	sld [smem:$0x3FD0];
	(tm) =	ssettm $0x1  }
0x91: {  	s18 =	sld [smem:$0x3FFB];
	_ =	sdelay $0x3  }
0x92: {  	_ =	strace s18  }
0x93: {  	s3 =	sld [smem:$0x3FFC];
	_ =	sdelay $0x3  }
0x94: {  	_ =	strace s3  }
0x95: {  	s3 =	sld [smem:$0x3FFD];
	_ =	sdelay $0x3  }
0x96: {  	_ =	strace s3  }
0x97: {  	_ =	strace $0x8FFFFFFF  }
0x98: {  	s19 =	sld [smem:$0x3FDB];
	_ =	sdelay $0x1  }
0x99: {  	s4 =	simm.s32 $_scs_section_size  }
0x9a: {  	s5 =	simm.s32 $_size__tile_overlayer_lowered;
	s6 =	simm.s32 $_tile_overlayer_lowered  }
0x9b: {  	s22 =	simm.s32 $0x1BFF;
	s21 =	sshll.u32 s6, $0x1;
	s3 =	sadd.s32 s4, s19  }
0x9c: {  	s7 =	simm.s32 $0x0;
	s20 =	sshll.u32 s5, $0x1;
	s5 =	sadd.s32 s21, s3  }
0x9d: {  	[timem:s7], [sflag:s22] =	dma.local [hbm:s5], s20  }
0x9e: {  	_ =	swait.ge [sflag:s22], s20  }
0x9f: {  	s4 =	ssub.s32 $0x0, s20;
	[sflag:s22] =	ssyncset.done $0x0  }
0xa0: {  	[sflag:s22] =	ssyncadd.s32 s4;
	_ =	sdelay $0x1  }
0xa1: {  	s23 =	simm.s32 $0x1B8B  }
0xa2: {  	_ =	swait.ge [sflag:s23], $0x1  }
0xa3: {  	[sflag:s23] =	ssyncset.done $0x0  }
0xa4: {  	s25 =	simm.s32 $0x1B8E;
	s24 =	sld [smem:$0x3FFE];
	[sflag:s23] =	ssyncadd.s32 $0xFFFFFFFF  }
0xa5: {  	s26 =	simm.s32 $execute0_lowered;
	[smem:$0x3FD2] =	sst s25  }
0xa6: {  	s5 =	sshll.u32 s26, $0x1;
	_ =	strace $0x80000046;
	[dreg:$0x1] =	wrdreg $0xFFFFFFFF  }
0xa7: {  	s28 =	simm.s32 $_size_execute0_lowered;
	s3 =	sadd.s32 s3, s5;
	[dreg:$0x0] =	wrdreg $0x0  }
0xa8: {  	s5 =	sshll.u32 s28, $0x1;
	[dreg:$0x2] =	wrdreg s3  }
0xa9: {  	[dreg:$0x3] =	wrdreg s5  }
0xaa: {  	[dreg:$0x4] =	wrdreg $0xC0  }
0xab: {  	_ =	task [dreg:s7], $0x5FFFF  }
0xac: {  	[dreg:$0x1] =	wrdreg $0xFFFFFFFF  }
0xad: {  	[dreg:$0x0] =	wrdreg $0x60  }
0xae: {  	[dreg:$0x2] =	wrdreg s2  }
0xaf: {  	[dreg:$0x3] =	wrdreg s24  }
0xb0: {  	[dreg:$0x4] =	wrdreg $0x9  }
0xb1: {  	_ =	task.clear_ibuf [dreg:s7], $0x5FFFF;
	_ =	strace $0x90000046  }
0xb2: {  	s29 =	simm.s32 $0x9;
	_ =	strace $0x80000048  }
0xb3: {  	_ =	swait.ge [sflag:s29], $0x1  }
0xb4: {  	[sflag:s29] =	ssyncadd.s32 $0xFFFFFFFF  }
0xb5: {  	_ =	strace $0x90000048  }
0xb6: {  	_ =	sfence  }
0xb7: {  	s30 =	sld [smem:$0x0];
	_ =	sdelay $0x2  }
0xb8: {  	s31 =	sshll.u32 s1, $0xD;
	s1 =	sshrl.u32 s1, $0x2  }
0xb9: {  	s3 =	sand.u32 $0x4000, s31;
	s1 =	sadd.s32 s1, s30  }
0xba: {  	s0 =	sor.u32 s3, s0;
	s1 =	sshll.u32 s1, $0x11  }
0xbb: {  	s0 =	sor.u32 s1, s0  }
0xbc: {  	s0 =	sadd.s32 $0x8F2B, s0  }
0xbd: {  	[sflag:s0] =	ssyncadd.remote.s32 $0x1  }
0xbe: {  	_ =	sfence.sel $0xFFFF  }
0xbf: {  	[dreg:$0x0] =	wrdreg $0xFFFFFFFF;
	(pc) =	sbr.abs _section_cstart, $3  }
0xc0: {  	[dreg:$0x1] =	wrdreg $0xFFFFFFFF  }
0xc1: {  	_ =	task.clear_ibuf [dreg:s7], $0x2FFFF;
	_ =	strace $0x9FFFFFFF  }
0xc2: {  	(tm) =	ssettm $0x7FFFFFFF  }
0xc3: {  	_ =	shalt  }
tec
execute0_lowered:
.L_overlay_start_1:
0x0: {  	(tag) =	ssettag $0x1  }
0x1: {  	s3 =	rddreg [dreg:$0x0]  }
0x2: {  	s5 =	rddreg [dreg:$0x1];
	s2 =	srdreg.scid  }
0x3: {  	s0 =	rddreg [dreg:$0x2];
	s1 =	stileid.u32;
	s6 =	sand.u32 $0x1, s2  }
0x4: {  	s2 =	simm.s32 $0x0;
	s7 =	sshll.u32 s1, $0x4;
	s4 =	sshll.u32 s6, $0x8  }
0x5: {  	[smem:$0x7FF] =	sst s2;
	s7 =	sor.u32 s7, s4  }
0x6: {  	_ =	strace $0x80000047;
	s4 =	sadd.s32 s3, s7;
	s3 =	simm.s32 $0x1  }
0x7: {  	[tilespmem:s2], [sflag:$0x1] =	stream.linear.gather [hbm4b:s4+s2], $0x80, $0x38;
	[tilespmem:$0x80] =	vst v63  }
0x8: {  	_ =	swait.ge [sflag:s3], $0x80  }
0x9: {  	[sflag:s3] =	ssyncset.done $0x0  }
0xa: {  	[sflag:s3] =	ssyncadd.s32 $0xFFFFFF80  }
0xb: {  	v1 =	vld [tilespmem:$0x0];
	_ =	sdelay $0x3  }
0xc: {  	v0 =	vlaneseq.u32  }
0xd: {  	(xrf1) =	vsort.dscd.msk.f32 $0xffff, v1, v0;
	_ =	sdelay $0xd  }
0xe: {  	v2 =	vimm.s32 $0x1;
	v1 =	vimm.s32 $0x0;
	v3, v4, _ =	vpop (xrf1)  }
0xf: {  	v5 =	vperm.xlane v3, v1;
	v3 =	vperm.xlane v3, v2;
	_ =	sdelay $0x1  }
0x10: {  	v3 =	vsub.f32 v3, v5;
	_ =	sdelay $0x1  }
0x11: {  	v3 =	vmul.f32 $1.442695020e+00, v3;
	_ =	sdelay $0x1  }
0x12: {  	(erf) = vpow2.f32 v3;
	_ =	sdelay $0x8  }
0x13: {  	v3 =	vpop (erf)  }
0x14: {  	v61 =	vadd.f32 $1.000000000e+00, v3;
	_ =	sdelay $0x1  }
0x15: {  	(erf) = vrcp.f32 v61;
	_ =	sdelay $0x8  }
0x16: {  	s6 =	ssub.s32 $0x2, s6;
	v62 =	vperm.xlane v4, v1;
	v4 =	vperm.xlane v4, v2;
	v6 =	vpop (erf)  }
0x17: {  	s8 =	sshrl.u32 s6, $0x1;
	v3 =	vmul.f32 v6, v3  }
0x18: {  	s6 =	ssub.s32 s6, s8;
	vm0 =	veq.s32 v62, v0;
	vm1 =	veq.s32 v4, v0  }
0x19: {  	s6 =	smax.u32 s6, $0x1;
	v63 =	vnsel vm0, $0x0, v6;
	v3 =	vnsel vm1, $0x0, v3  }
0x1a: {  	p0 =	sne.s32 s6, $0x1;
	v3 =	vadd.f32 v3, v63  }
.Ltmp0:
0x1b: {  	s5 =	sadd.s32 s7, s5;
	(pc) =	sbr.rel @!p0 .LBB2_2-.Ltmp0, $4  }
0x1c: {  	s5 =	sadd.s32 $0xE00, s5;
	[tilespmem:$0x0] =	vst v3  }
0x1d: {  	[hbm4b:s5+s2] =	stream.linear.scatter [tilespmem:s2], [sflag:$0x1], $0x80, $0x38;
	[tilespmem:$0x80] =	vst v63  }
0x1e: {  	_ =	swait.ge [sflag:s3], $0x80  }
0x1f: {  	s6 =	sadd.s32 $0xFFFFFFFF, s6;
	[sflag:s3] =	ssyncset.done $0x0  }
.LBB2_1:
0x20: {  	p0 =	sne.s32 s6, $0x1;
	s6 =	sadd.s32 $0xFFFFFFFF, s6;
	[sflag:s3] =	ssyncadd.s32 $0xFFFFFF80  }
0x21: {  	[tilespmem:s2], [sflag:$0x1] =	stream.linear.gather [hbm4b:s4+s2], $0x80, $0x38;
	[tilespmem:$0x80] =	vst v63  }
0x22: {  	_ =	swait.ge [sflag:s3], $0x80  }
0x23: {  	[sflag:s3] =	ssyncset.done $0x0  }
0x24: {  	[sflag:s3] =	ssyncadd.s32 $0xFFFFFF80  }
0x25: {  	v3 =	vld [tilespmem:$0x0];
	_ =	sdelay $0x4  }
0x26: {  	(xrf1) =	vsort.dscd.msk.f32 $0xffff, v3, v0;
	_ =	sdelay $0xd  }
0x27: {  	v3, v4, _ =	vpop (xrf1)  }
0x28: {  	v5 =	vperm.xlane v3, v1;
	v3 =	vperm.xlane v3, v2  }
0x29: {  	v6 =	vperm.xlane v4, v1;
	v4 =	vperm.xlane v4, v2  }
0x2a: {  	v3 =	vsub.f32 v3, v5;
	_ =	sdelay $0x1  }
0x2b: {  	v3 =	vmul.f32 $1.442695020e+00, v3;
	_ =	sdelay $0x1  }
0x2c: {  	(erf) = vpow2.f32 v3;
	_ =	sdelay $0x8  }
0x2d: {  	v3 =	vpop (erf)  }
0x2e: {  	v5 =	vadd.f32 $1.000000000e+00, v3;
	_ =	sdelay $0x1  }
0x2f: {  	(erf) = vrcp.f32 v5;
	_ =	sdelay $0x8  }
0x30: {  	v5 =	vpop (erf)  }
0x31: {  	v3 =	vmul.f32 v5, v3  }
0x32: {  	vm0 =	veq.s32 v6, v0;
	vm1 =	veq.s32 v4, v0  }
0x33: {  	v4 =	vnsel vm0, $0x0, v5;
	v3 =	vnsel vm1, $0x0, v3  }
0x34: {  	v3 =	vadd.f32 v3, v4  }
.Ltmp1:
0x35: {  	(pc) =	sbr.rel @p0 .LBB2_1-.Ltmp1, $4  }
0x36: {  	[tilespmem:$0x0] =	vst v3  }
0x37: {  	[hbm4b:s5+s2] =	stream.linear.scatter [tilespmem:s2], [sflag:$0x1], $0x80, $0x38;
	[tilespmem:$0x80] =	vst v63  }
0x38: {  	_ =	swait.ge [sflag:s3], $0x80  }
0x39: {  	[sflag:s3] =	ssyncset.done $0x0  }
.LBB2_2:
0x3a: {  	[sflag:s3] =	ssyncadd.s32 $0xFFFFFF80  }
0x3b: {  	_ =	sfence.sel $0x180000  }
0x3c: {  	[bflag:$0x0] =	sbarrier.arrive $0xFFFF  }
0x3d: {  	p0 =	sne.s32 s1, $0x0;
	_ =	strace $0x90000047  }
0x3e: {  	s0 =	sadd.s32 @!p0 $0x100000, s0;
	[bflag:$0x2] =	sbarrier.arrive $0xFFFF  }
0x3f: {  	[sflag:s0] =	ssyncadd.tile.s32 @!p0 $0x1;
	_ =	shalt  }
.Lfunc_end2:
_tile_overlayer_lowered:
.L_overlay_start_2:
0x40: {  	(tag) =	ssettag $0x2  }
0x41: {  	s0 =	rddreg [dreg:$0x0];
	s2 =	stileid.u32  }
0x42: {  	s1 =	rddreg [dreg:$0x1];
	p0 =	sne.s32 s2, $0x0  }
0x43: {  	s3 =	rddreg [dreg:$0x2];
	[bflag:$0x3] =	sbarrier.arrive $0xFFFF;
	s2 =	simm.s32 @!p0 $0x1C01  }
0x44: {  	[timem:s3], [sflag:s2] =	dma.local @!p0 [hbm:s0], s1  }
0x45: {  	s0 =	simm.s32 @!p0 $0x1  }
0x46: {  	_ =	swait.ge @!p0 [sflag:s0], s1  }
0x47: {  	s1 =	ssub.s32 @!p0 $0x0, s1;
	[sflag:s0] =	ssyncset.done @!p0 $0x0  }
0x48: {  	[sflag:s0] =	ssyncadd.s32 @!p0 s1  }
0x49: {  	[bflag:$0x3] =	sbarrier.arrive $0xFFFF  }
0x4a: {  	_ =	shalt  }

</sc_bundles>
